<compile_context>
chip_gen: v7x
topology: tpu7x:2x2x1
jax: 0.10.2.dev20260603
libtpu: 0.0.44.dev20260713+nightly
codegen_flags: <defaults>
</compile_context>

<pallas_src>
import functools

import jax
import jax.numpy as jnp
from jax import lax
from jax.experimental import pallas as pl
from jax.experimental.pallas import tpu as pltpu
from jax.experimental.pallas import tpu_sc as plsc

_VOCAB = 100000
_DIM = 64
_EMBED_P = 0.1
_NC, _NS = 2, 16
_NW = _NC * _NS
_CH = 128


_HB = 1000


def _premask_body(s1_ref, s2_ref, w1_ref, w2_ref, o_ref):
    lo = w1_ref[...] * jnp.broadcast_to(s1_ref[...], (_HB, _DIM))
    hi = w2_ref[...] * jnp.broadcast_to(s2_ref[...], (_HB, _DIM))
    o_ref[...] = jnp.concatenate([lo, hi], axis=1)


def _premask(weight, scale):
    half = _VOCAB // 2
    grid = (half // _HB,)
    out = pl.pallas_call(
        _premask_body,
        grid=grid,
        in_specs=[
            pl.BlockSpec((_HB, 1), lambda i: (2 * i, 0)),
            pl.BlockSpec((_HB, 1), lambda i: (2 * i + 1, 0)),
            pl.BlockSpec((_HB, _DIM), lambda i: (2 * i, 0)),
            pl.BlockSpec((_HB, _DIM), lambda i: (2 * i + 1, 0)),
        ],
        out_specs=pl.BlockSpec((_HB, 2 * _DIM), lambda i: (i, 0)),
        out_shape=jax.ShapeDtypeStruct((half, 2 * _DIM), jnp.float32),
    )(scale, scale, weight, weight)
    return out.reshape(_VOCAB, _DIM)


def _sc_gather(table, idx2d):
    n_ch_total = idx2d.shape[0]
    n_ch = n_ch_total // _NW
    n_rows = n_ch_total * _CH
    mesh = plsc.VectorSubcoreMesh(core_axis_name="c", subcore_axis_name="s")

    @functools.partial(
        pl.kernel,
        out_type=jax.ShapeDtypeStruct((n_rows, _DIM), jnp.float32),
        mesh=mesh,
        scratch_types=[
            pltpu.VMEM((n_ch, _CH), jnp.int32),
            pltpu.VMEM((2, _CH, _DIM), jnp.float32),
            pltpu.SemaphoreType.DMA,
            pltpu.SemaphoreType.DMA,
            pltpu.SemaphoreType.DMA,
            pltpu.SemaphoreType.DMA,
        ],
        compiler_params=pltpu.CompilerParams(use_tc_tiling_on_sc=False),
    )
    def k(table_hbm, idx_hbm, out_hbm, idx_v, buf_v, g0, g1, w0, w1):
        wid = lax.axis_index("s") * _NC + lax.axis_index("c")
        chbase = wid * n_ch
        rowbase = chbase * _CH
        pltpu.sync_copy(idx_hbm.at[pl.ds(chbase, n_ch)], idx_v)

        def gather(j, buf, sem):
            return pltpu.make_async_copy(table_hbm.at[idx_v.at[j]], buf, sem)

        def write(j, buf, sem):
            return pltpu.make_async_copy(
                buf, out_hbm.at[pl.ds(rowbase + j * _CH, _CH)], sem)

        gather(0, buf_v.at[0], g0).start()
        gather(1, buf_v.at[1], g1).start()

        def body(s, carry):
            j0 = 2 * s
            j1 = j0 + 1
            gather(j0, buf_v.at[0], g0).wait()
            write(j0, buf_v.at[0], w0).start()
            gather(j1, buf_v.at[1], g1).wait()
            write(j1, buf_v.at[1], w1).start()

            @pl.when(j0 + 2 < n_ch)
            def _():
                write(j0, buf_v.at[0], w0).wait()
                gather(j0 + 2, buf_v.at[0], g0).start()
                write(j1, buf_v.at[1], w1).wait()
                gather(j1 + 2, buf_v.at[1], g1).start()

            return carry

        lax.fori_loop(0, n_ch // 2, body, 0)
        write(n_ch - 2, buf_v.at[0], w0).wait()
        write(n_ch - 1, buf_v.at[1], w1).wait()

    return k(table, idx2d)


def kernel(words, weight):
    keep = jax.random.bernoulli(
        jax.random.key(42), 1.0 - _EMBED_P, (_VOCAB, 1)).astype(jnp.float32)
    scale = keep / (1.0 - _EMBED_P)
    masked = _premask(weight, scale)
    flat = words.reshape(-1).astype(jnp.int32)
    chunk = flat // (2 * _HB)
    off = flat % (2 * _HB)
    pidx = chunk * (2 * _HB) + (off % _HB) * 2 + off // _HB
    idx2d = pidx.reshape(-1, _CH)
    out = _sc_gather(masked, idx2d)
    return out.reshape(words.shape + (_DIM,))

# --- scband reference (transcript-rebuilt; emitter-appended) ---
"""Pipeline reference for scband-embedding-dropout-18090402251061 (READ-ONLY COPY).

The authoritative reference and input builder live on the scoring server;
editing this copy changes nothing except your own understanding.
"""

import jax, jax.numpy as jnp
import numpy as np

VOCAB = 100000
DIM = 64
EMBED_P = 0.1
BATCH = 4096
HIST = 200


def setup_inputs(seed: int = 0) -> dict:
    key = jax.random.key(seed)
    k1, k2 = jax.random.split(key)
    words = jax.random.randint(k1, (BATCH, HIST), 0, VOCAB)
    weight = jax.random.normal(k2, (VOCAB, DIM), dtype=jnp.float32)
    return {"words": words, "weight": weight}


def reference(words, weight):
    # EmbeddingDropout.forward in training mode with embed_p != 0:
    # draw a per-row (per-vocab-entry) bernoulli keep mask of shape (V, 1),
    # scale by 1/(1-p), multiply the embedding table by it, then gather.
    mkey = jax.random.key(42)
    keep = jax.random.bernoulli(mkey, 1.0 - EMBED_P, (VOCAB, 1)).astype(weight.dtype)
    mask = keep / (1.0 - EMBED_P)
    masked_embed = weight * mask
    # F.embedding(words, masked_embed, ...): pure gather on the forward pass
    # (padding_idx / scale_grad_by_freq only affect gradients in torch).
    return jnp.take(masked_embed, words, axis=0)

if __name__ == "__main__":
    import jax
    _d = setup_inputs()
    print(jax.jit(kernel)(*tuple(_d.values())))

</pallas_src>

<mosaic_0001>
#map = affine_map<(d0, d1) -> (0, 0)>
module attributes {stable_mosaic.version = 14 : i64} {
  func.func @k(%arg0: i32, %arg1: i32, %arg2: memref<100000x64xf32, #tpu.memory_space<hbm>>, %arg3: memref<6400x128xi32, #tpu.memory_space<hbm>>, %arg4: memref<819200x64xf32, #tpu.memory_space<hbm>>, %arg5: memref<200x128xi32, #tpu.memory_space<vmem>>, %arg6: memref<2x128x64xf32, #tpu.memory_space<vmem>>, %arg7: memref<!tpu.dma_semaphore, #tpu.memory_space<semaphore_mem>>, %arg8: memref<!tpu.dma_semaphore, #tpu.memory_space<semaphore_mem>>, %arg9: memref<!tpu.dma_semaphore, #tpu.memory_space<semaphore_mem>>, %arg10: memref<!tpu.dma_semaphore, #tpu.memory_space<semaphore_mem>>) attributes {dimension_semantics = [#tpu.dimension_semantics<core_parallel>, #tpu.dimension_semantics<subcore_parallel>], iteration_bounds = array<i64: 2, 16>, scalar_prefetch = 0 : i64, scratch_operands = 6 : i64, tpu.core_type = #tpu.core_type<sc_vector_subcore>, window_params = [{transform_indices = #map}, {transform_indices = #map}, {transform_indices = #map}]} {
    %mul3A = arith.constant 2 : i32
    %mul3A_0 = arith.muli %arg1, %mul3A : i32
    %add3A = arith.addi %mul3A_0, %arg0 : i32
    %mul3A_1 = arith.constant 200 : i32
    %mul3A_2 = arith.muli %add3A, %mul3A_1 : i32
    %mul3A_3 = arith.constant 128 : i32
    %mul3A_4 = arith.muli %mul3A_2, %mul3A_3 : i32
    "tpu.region"() ({
      %run_scoped3A = tpu.sem_alloc : memref<!tpu.dma_semaphore, #tpu.memory_space<semaphore_mem>>
      %dma_start3A_62 = arith.constant 0 : i32
      %dma_start3A_63 = tpu.memref_slice %arg3[%mul3A_2, %dma_start3A_62] : memref<6400x128xi32, #tpu.memory_space<hbm>> -> memref<200x128xi32, #tpu.memory_space<hbm>>
      %dma_start3A_64 = arith.constant 0 : i32
      %dma_start3A_65 = tpu.memref_slice %arg3[%mul3A_2, %dma_start3A_64] : memref<6400x128xi32, #tpu.memory_space<hbm>> -> memref<200x128xi32, #tpu.memory_space<hbm>>
      tpu.enqueue_dma source(%dma_start3A_65 : memref<200x128xi32, #tpu.memory_space<hbm>>) target(%arg5 : memref<200x128xi32, #tpu.memory_space<vmem>>) target_semaphore(%run_scoped3A : memref<!tpu.dma_semaphore, #tpu.memory_space<semaphore_mem>>)
      %dma_wait3A_66 = arith.constant 0 : i32
      %dma_wait3A_67 = tpu.memref_slice %arg3[%mul3A_2, %dma_wait3A_66] : memref<6400x128xi32, #tpu.memory_space<hbm>> -> memref<200x128xi32, #tpu.memory_space<hbm>>
      %dma_wait3A_68 = arith.constant 0 : i32
      %dma_wait3A_69 = tpu.memref_slice %arg3[%mul3A_2, %dma_wait3A_68] : memref<6400x128xi32, #tpu.memory_space<hbm>> -> memref<200x128xi32, #tpu.memory_space<hbm>>
      tpu.wait_dma2 semaphore(%run_scoped3A : memref<!tpu.dma_semaphore, #tpu.memory_space<semaphore_mem>>) src(%dma_wait3A_69 : memref<200x128xi32, #tpu.memory_space<hbm>>) dst(%arg5 : memref<200x128xi32, #tpu.memory_space<vmem>>)
      tpu.yield
    }) : () -> ()
    %dma_start3A = arith.constant 0 : i32
    %dma_start3A_5 = arith.constant 0 : i32
    %dma_start3A_6 = arith.constant 0 : i32
    %dma_start3A_7 = arith.constant 0 : i32
    %dma_start3A_8 = tpu.memref_slice %arg6[%dma_start3A_5, %dma_start3A_6, %dma_start3A_7] : memref<2x128x64xf32, #tpu.memory_space<vmem>> -> memref<1x128x64xf32, #tpu.memory_space<vmem>>
    %dma_start3A_9 = tpu.memref_squeeze %dma_start3A_8 : memref<1x128x64xf32, #tpu.memory_space<vmem>> -> memref<128x64xf32, #tpu.memory_space<vmem>>
    %dma_start3A_10 = arith.constant 0 : i32
    %dma_start3A_11 = tpu.memref_slice %arg5[%dma_start3A, %dma_start3A_10] : memref<200x128xi32, #tpu.memory_space<vmem>> -> memref<1x128xi32, #tpu.memory_space<vmem>>
    %dma_start3A_12 = tpu.memref_squeeze %dma_start3A_11 : memref<1x128xi32, #tpu.memory_space<vmem>> -> memref<128xi32, #tpu.memory_space<vmem>>
    %dma_start3A_13 = arith.constant 0 : i32
    %dma_start3A_14 = arith.constant 0 : i32
    %dma_start3A_15 = tpu.memref_slice %arg2[%dma_start3A_13, %dma_start3A_14] : memref<100000x64xf32, #tpu.memory_space<hbm>> -> memref<100000x64xf32, #tpu.memory_space<hbm>>
    tpu.enqueue_indirect_dma source(%dma_start3A_15 : memref<100000x64xf32, #tpu.memory_space<hbm>>) target(%dma_start3A_9 : memref<128x64xf32, #tpu.memory_space<vmem>>) offsets(%dma_start3A_12 : memref<128xi32, #tpu.memory_space<vmem>>) semaphore(%arg7 : memref<!tpu.dma_semaphore, #tpu.memory_space<semaphore_mem>>)
    %dma_start3A_16 = arith.constant 1 : i32
    %dma_start3A_17 = arith.constant 1 : i32
    %dma_start3A_18 = arith.constant 0 : i32
    %dma_start3A_19 = arith.constant 0 : i32
    %dma_start3A_20 = tpu.memref_slice %arg6[%dma_start3A_17, %dma_start3A_18, %dma_start3A_19] : memref<2x128x64xf32, #tpu.memory_space<vmem>> -> memref<1x128x64xf32, #tpu.memory_space<vmem>>
    %dma_start3A_21 = tpu.memref_squeeze %dma_start3A_20 : memref<1x128x64xf32, #tpu.memory_space<vmem>> -> memref<128x64xf32, #tpu.memory_space<vmem>>
    %dma_start3A_22 = arith.constant 0 : i32
    %dma_start3A_23 = tpu.memref_slice %arg5[%dma_start3A_16, %dma_start3A_22] : memref<200x128xi32, #tpu.memory_space<vmem>> -> memref<1x128xi32, #tpu.memory_space<vmem>>
    %dma_start3A_24 = tpu.memref_squeeze %dma_start3A_23 : memref<1x128xi32, #tpu.memory_space<vmem>> -> memref<128xi32, #tpu.memory_space<vmem>>
    %dma_start3A_25 = arith.constant 0 : i32
    %dma_start3A_26 = arith.constant 0 : i32
    %dma_start3A_27 = tpu.memref_slice %arg2[%dma_start3A_25, %dma_start3A_26] : memref<100000x64xf32, #tpu.memory_space<hbm>> -> memref<100000x64xf32, #tpu.memory_space<hbm>>
    tpu.enqueue_indirect_dma source(%dma_start3A_27 : memref<100000x64xf32, #tpu.memory_space<hbm>>) target(%dma_start3A_21 : memref<128x64xf32, #tpu.memory_space<vmem>>) offsets(%dma_start3A_24 : memref<128xi32, #tpu.memory_space<vmem>>) semaphore(%arg8 : memref<!tpu.dma_semaphore, #tpu.memory_space<semaphore_mem>>)
    %scan3A = arith.constant 0 : i32
    %scan3A_28 = arith.constant 0 : i32
    %scan3A_29 = arith.constant 100 : i32
    %scan3A_30 = arith.addi %scan3A_28, %scan3A_29 : i32
    %scan3A_31 = arith.constant 1 : i32
    scf.for %scan3A_62 = %scan3A_28 to %scan3A_30 step %scan3A_31  : i32 {
      %mul3A_63 = arith.constant 2 : i32
      %mul3A_64 = arith.muli %mul3A_63, %scan3A_62 : i32
      %add3A_65 = arith.constant 1 : i32
      %add3A_66 = arith.addi %mul3A_64, %add3A_65 : i32
      %dma_wait3A_67 = arith.constant 0 : i32
      %dma_wait3A_68 = arith.constant 0 : i32
      %dma_wait3A_69 = arith.constant 0 : i32
      %dma_wait3A_70 = tpu.memref_slice %arg6[%dma_wait3A_67, %dma_wait3A_68, %dma_wait3A_69] : memref<2x128x64xf32, #tpu.memory_space<vmem>> -> memref<1x128x64xf32, #tpu.memory_space<vmem>>
      %dma_wait3A_71 = tpu.memref_squeeze %dma_wait3A_70 : memref<1x128x64xf32, #tpu.memory_space<vmem>> -> memref<128x64xf32, #tpu.memory_space<vmem>>
      %dma_wait3A_72 = arith.constant 0 : i32
      %dma_wait3A_73 = tpu.memref_slice %arg5[%mul3A_64, %dma_wait3A_72] : memref<200x128xi32, #tpu.memory_space<vmem>> -> memref<1x128xi32, #tpu.memory_space<vmem>>
      %dma_wait3A_74 = tpu.memref_squeeze %dma_wait3A_73 : memref<1x128xi32, #tpu.memory_space<vmem>> -> memref<128xi32, #tpu.memory_space<vmem>>
      %dma_wait3A_75 = arith.constant 0 : i32
      %dma_wait3A_76 = arith.constant 0 : i32
      %dma_wait3A_77 = tpu.memref_slice %arg2[%dma_wait3A_75, %dma_wait3A_76] : memref<100000x64xf32, #tpu.memory_space<hbm>> -> memref<100000x64xf32, #tpu.memory_space<hbm>>
      tpu.wait_indirect_dma semaphore(%arg7 : memref<!tpu.dma_semaphore, #tpu.memory_space<semaphore_mem>>) src(%dma_wait3A_77 : memref<100000x64xf32, #tpu.memory_space<hbm>>) dst(%dma_wait3A_71 : memref<128x64xf32, #tpu.memory_space<vmem>>)
      %mul3A_78 = arith.constant 128 : i32
      %mul3A_79 = arith.muli %mul3A_64, %mul3A_78 : i32
      %add3A_80 = arith.addi %mul3A_4, %mul3A_79 : i32
      %dma_start3A_81 = arith.constant 0 : i32
      %dma_start3A_82 = arith.constant 0 : i32
      %dma_start3A_83 = arith.constant 0 : i32
      %dma_start3A_84 = tpu.memref_slice %arg6[%dma_start3A_81, %dma_start3A_82, %dma_start3A_83] : memref<2x128x64xf32, #tpu.memory_space<vmem>> -> memref<1x128x64xf32, #tpu.memory_space<vmem>>
      %dma_start3A_85 = tpu.memref_squeeze %dma_start3A_84 : memref<1x128x64xf32, #tpu.memory_space<vmem>> -> memref<128x64xf32, #tpu.memory_space<vmem>>
      %dma_start3A_86 = arith.constant 0 : i32
      %dma_start3A_87 = tpu.memref_slice %arg4[%add3A_80, %dma_start3A_86] : memref<819200x64xf32, #tpu.memory_space<hbm>> -> memref<128x64xf32, #tpu.memory_space<hbm>>
      %dma_start3A_88 = arith.constant 0 : i32
      %dma_start3A_89 = tpu.memref_slice %arg4[%add3A_80, %dma_start3A_88] : memref<819200x64xf32, #tpu.memory_space<hbm>> -> memref<128x64xf32, #tpu.memory_space<hbm>>
      %dma_start3A_90 = arith.constant 0 : i32
      %dma_start3A_91 = arith.constant 0 : i32
      %dma_start3A_92 = tpu.memref_slice %arg6[%dma_start3A_81, %dma_start3A_90, %dma_start3A_91] : memref<2x128x64xf32, #tpu.memory_space<vmem>> -> memref<1x128x64xf32, #tpu.memory_space<vmem>>
      %dma_start3A_93 = tpu.memref_squeeze %dma_start3A_92 : memref<1x128x64xf32, #tpu.memory_space<vmem>> -> memref<128x64xf32, #tpu.memory_space<vmem>>
      tpu.enqueue_dma source(%dma_start3A_93 : memref<128x64xf32, #tpu.memory_space<vmem>>) target(%dma_start3A_89 : memref<128x64xf32, #tpu.memory_space<hbm>>) target_semaphore(%arg9 : memref<!tpu.dma_semaphore, #tpu.memory_space<semaphore_mem>>)
      %dma_wait3A_94 = arith.constant 1 : i32
      %dma_wait3A_95 = arith.constant 0 : i32
      %dma_wait3A_96 = arith.constant 0 : i32
      %dma_wait3A_97 = tpu.memref_slice %arg6[%dma_wait3A_94, %dma_wait3A_95, %dma_wait3A_96] : memref<2x128x64xf32, #tpu.memory_space<vmem>> -> memref<1x128x64xf32, #tpu.memory_space<vmem>>
      %dma_wait3A_98 = tpu.memref_squeeze %dma_wait3A_97 : memref<1x128x64xf32, #tpu.memory_space<vmem>> -> memref<128x64xf32, #tpu.memory_space<vmem>>
      %dma_wait3A_99 = arith.constant 0 : i32
      %dma_wait3A_100 = tpu.memref_slice %arg5[%add3A_66, %dma_wait3A_99] : memref<200x128xi32, #tpu.memory_space<vmem>> -> memref<1x128xi32, #tpu.memory_space<vmem>>
      %dma_wait3A_101 = tpu.memref_squeeze %dma_wait3A_100 : memref<1x128xi32, #tpu.memory_space<vmem>> -> memref<128xi32, #tpu.memory_space<vmem>>
      %dma_wait3A_102 = arith.constant 0 : i32
      %dma_wait3A_103 = arith.constant 0 : i32
      %dma_wait3A_104 = tpu.memref_slice %arg2[%dma_wait3A_102, %dma_wait3A_103] : memref<100000x64xf32, #tpu.memory_space<hbm>> -> memref<100000x64xf32, #tpu.memory_space<hbm>>
      tpu.wait_indirect_dma semaphore(%arg8 : memref<!tpu.dma_semaphore, #tpu.memory_space<semaphore_mem>>) src(%dma_wait3A_104 : memref<100000x64xf32, #tpu.memory_space<hbm>>) dst(%dma_wait3A_98 : memref<128x64xf32, #tpu.memory_space<vmem>>)
      %mul3A_105 = arith.constant 128 : i32
      %mul3A_106 = arith.muli %add3A_66, %mul3A_105 : i32
      %add3A_107 = arith.addi %mul3A_4, %mul3A_106 : i32
      %dma_start3A_108 = arith.constant 1 : i32
      %dma_start3A_109 = arith.constant 0 : i32
      %dma_start3A_110 = arith.constant 0 : i32
      %dma_start3A_111 = tpu.memref_slice %arg6[%dma_start3A_108, %dma_start3A_109, %dma_start3A_110] : memref<2x128x64xf32, #tpu.memory_space<vmem>> -> memref<1x128x64xf32, #tpu.memory_space<vmem>>
      %dma_start3A_112 = tpu.memref_squeeze %dma_start3A_111 : memref<1x128x64xf32, #tpu.memory_space<vmem>> -> memref<128x64xf32, #tpu.memory_space<vmem>>
      %dma_start3A_113 = arith.constant 0 : i32
      %dma_start3A_114 = tpu.memref_slice %arg4[%add3A_107, %dma_start3A_113] : memref<819200x64xf32, #tpu.memory_space<hbm>> -> memref<128x64xf32, #tpu.memory_space<hbm>>
      %dma_start3A_115 = arith.constant 0 : i32
      %dma_start3A_116 = tpu.memref_slice %arg4[%add3A_107, %dma_start3A_115] : memref<819200x64xf32, #tpu.memory_space<hbm>> -> memref<128x64xf32, #tpu.memory_space<hbm>>
      %dma_start3A_117 = arith.constant 0 : i32
      %dma_start3A_118 = arith.constant 0 : i32
      %dma_start3A_119 = tpu.memref_slice %arg6[%dma_start3A_108, %dma_start3A_117, %dma_start3A_118] : memref<2x128x64xf32, #tpu.memory_space<vmem>> -> memref<1x128x64xf32, #tpu.memory_space<vmem>>
      %dma_start3A_120 = tpu.memref_squeeze %dma_start3A_119 : memref<1x128x64xf32, #tpu.memory_space<vmem>> -> memref<128x64xf32, #tpu.memory_space<vmem>>
      tpu.enqueue_dma source(%dma_start3A_120 : memref<128x64xf32, #tpu.memory_space<vmem>>) target(%dma_start3A_116 : memref<128x64xf32, #tpu.memory_space<hbm>>) target_semaphore(%arg10 : memref<!tpu.dma_semaphore, #tpu.memory_space<semaphore_mem>>)
      %add3A_121 = arith.constant 2 : i32
      %add3A_122 = arith.addi %mul3A_64, %add3A_121 : i32
      %lt3A = arith.constant 200 : i32
      %lt3A_123 = arith.cmpi slt, %add3A_122, %lt3A : i32
      %convert_element_type3A = arith.extui %lt3A_123 : i1 to i32
      %cond3A = arith.constant 0 : i32
      %cond3A_124 = arith.cmpi ne, %convert_element_type3A, %cond3A : i32
      scf.if %cond3A_124 {
        %mul3A_125 = arith.constant 128 : i32
        %mul3A_126 = arith.muli %mul3A_64, %mul3A_125 : i32
        %add3A_127 = arith.addi %mul3A_4, %mul3A_126 : i32
        %dma_wait3A_128 = arith.constant 0 : i32
        %dma_wait3A_129 = arith.constant 0 : i32
        %dma_wait3A_130 = arith.constant 0 : i32
        %dma_wait3A_131 = tpu.memref_slice %arg6[%dma_wait3A_128, %dma_wait3A_129, %dma_wait3A_130] : memref<2x128x64xf32, #tpu.memory_space<vmem>> -> memref<1x128x64xf32, #tpu.memory_space<vmem>>
        %dma_wait3A_132 = tpu.memref_squeeze %dma_wait3A_131 : memref<1x128x64xf32, #tpu.memory_space<vmem>> -> memref<128x64xf32, #tpu.memory_space<vmem>>
        %dma_wait3A_133 = arith.constant 0 : i32
        %dma_wait3A_134 = tpu.memref_slice %arg4[%add3A_127, %dma_wait3A_133] : memref<819200x64xf32, #tpu.memory_space<hbm>> -> memref<128x64xf32, #tpu.memory_space<hbm>>
        %dma_wait3A_135 = arith.constant 0 : i32
        %dma_wait3A_136 = tpu.memref_slice %arg4[%add3A_127, %dma_wait3A_135] : memref<819200x64xf32, #tpu.memory_space<hbm>> -> memref<128x64xf32, #tpu.memory_space<hbm>>
        %dma_wait3A_137 = arith.constant 0 : i32
        %dma_wait3A_138 = arith.constant 0 : i32
        %dma_wait3A_139 = tpu.memref_slice %arg6[%dma_wait3A_128, %dma_wait3A_137, %dma_wait3A_138] : memref<2x128x64xf32, #tpu.memory_space<vmem>> -> memref<1x128x64xf32, #tpu.memory_space<vmem>>
        %dma_wait3A_140 = tpu.memref_squeeze %dma_wait3A_139 : memref<1x128x64xf32, #tpu.memory_space<vmem>> -> memref<128x64xf32, #tpu.memory_space<vmem>>
        tpu.wait_dma2 semaphore(%arg9 : memref<!tpu.dma_semaphore, #tpu.memory_space<semaphore_mem>>) src(%dma_wait3A_140 : memref<128x64xf32, #tpu.memory_space<vmem>>) dst(%dma_wait3A_136 : memref<128x64xf32, #tpu.memory_space<hbm>>)
        %add3A_141 = arith.constant 2 : i32
        %add3A_142 = arith.addi %mul3A_64, %add3A_141 : i32
        %dma_start3A_143 = arith.constant 0 : i32
        %dma_start3A_144 = arith.constant 0 : i32
        %dma_start3A_145 = arith.constant 0 : i32
        %dma_start3A_146 = tpu.memref_slice %arg6[%dma_start3A_143, %dma_start3A_144, %dma_start3A_145] : memref<2x128x64xf32, #tpu.memory_space<vmem>> -> memref<1x128x64xf32, #tpu.memory_space<vmem>>
        %dma_start3A_147 = tpu.memref_squeeze %dma_start3A_146 : memref<1x128x64xf32, #tpu.memory_space<vmem>> -> memref<128x64xf32, #tpu.memory_space<vmem>>
        %dma_start3A_148 = arith.constant 0 : i32
        %dma_start3A_149 = tpu.memref_slice %arg5[%add3A_142, %dma_start3A_148] : memref<200x128xi32, #tpu.memory_space<vmem>> -> memref<1x128xi32, #tpu.memory_space<vmem>>
        %dma_start3A_150 = tpu.memref_squeeze %dma_start3A_149 : memref<1x128xi32, #tpu.memory_space<vmem>> -> memref<128xi32, #tpu.memory_space<vmem>>
        %dma_start3A_151 = arith.constant 0 : i32
        %dma_start3A_152 = arith.constant 0 : i32
        %dma_start3A_153 = tpu.memref_slice %arg2[%dma_start3A_151, %dma_start3A_152] : memref<100000x64xf32, #tpu.memory_space<hbm>> -> memref<100000x64xf32, #tpu.memory_space<hbm>>
        tpu.enqueue_indirect_dma source(%dma_start3A_153 : memref<100000x64xf32, #tpu.memory_space<hbm>>) target(%dma_start3A_147 : memref<128x64xf32, #tpu.memory_space<vmem>>) offsets(%dma_start3A_150 : memref<128xi32, #tpu.memory_space<vmem>>) semaphore(%arg7 : memref<!tpu.dma_semaphore, #tpu.memory_space<semaphore_mem>>)
        %mul3A_154 = arith.constant 128 : i32
        %mul3A_155 = arith.muli %add3A_66, %mul3A_154 : i32
        %add3A_156 = arith.addi %mul3A_4, %mul3A_155 : i32
        %dma_wait3A_157 = arith.constant 1 : i32
        %dma_wait3A_158 = arith.constant 0 : i32
        %dma_wait3A_159 = arith.constant 0 : i32
        %dma_wait3A_160 = tpu.memref_slice %arg6[%dma_wait3A_157, %dma_wait3A_158, %dma_wait3A_159] : memref<2x128x64xf32, #tpu.memory_space<vmem>> -> memref<1x128x64xf32, #tpu.memory_space<vmem>>
        %dma_wait3A_161 = tpu.memref_squeeze %dma_wait3A_160 : memref<1x128x64xf32, #tpu.memory_space<vmem>> -> memref<128x64xf32, #tpu.memory_space<vmem>>
        %dma_wait3A_162 = arith.constant 0 : i32
        %dma_wait3A_163 = tpu.memref_slice %arg4[%add3A_156, %dma_wait3A_162] : memref<819200x64xf32, #tpu.memory_space<hbm>> -> memref<128x64xf32, #tpu.memory_space<hbm>>
        %dma_wait3A_164 = arith.constant 0 : i32
        %dma_wait3A_165 = tpu.memref_slice %arg4[%add3A_156, %dma_wait3A_164] : memref<819200x64xf32, #tpu.memory_space<hbm>> -> memref<128x64xf32, #tpu.memory_space<hbm>>
        %dma_wait3A_166 = arith.constant 0 : i32
        %dma_wait3A_167 = arith.constant 0 : i32
        %dma_wait3A_168 = tpu.memref_slice %arg6[%dma_wait3A_157, %dma_wait3A_166, %dma_wait3A_167] : memref<2x128x64xf32, #tpu.memory_space<vmem>> -> memref<1x128x64xf32, #tpu.memory_space<vmem>>
        %dma_wait3A_169 = tpu.memref_squeeze %dma_wait3A_168 : memref<1x128x64xf32, #tpu.memory_space<vmem>> -> memref<128x64xf32, #tpu.memory_space<vmem>>
        tpu.wait_dma2 semaphore(%arg10 : memref<!tpu.dma_semaphore, #tpu.memory_space<semaphore_mem>>) src(%dma_wait3A_169 : memref<128x64xf32, #tpu.memory_space<vmem>>) dst(%dma_wait3A_165 : memref<128x64xf32, #tpu.memory_space<hbm>>)
        %add3A_170 = arith.constant 2 : i32
        %add3A_171 = arith.addi %add3A_66, %add3A_170 : i32
        %dma_start3A_172 = arith.constant 1 : i32
        %dma_start3A_173 = arith.constant 0 : i32
        %dma_start3A_174 = arith.constant 0 : i32
        %dma_start3A_175 = tpu.memref_slice %arg6[%dma_start3A_172, %dma_start3A_173, %dma_start3A_174] : memref<2x128x64xf32, #tpu.memory_space<vmem>> -> memref<1x128x64xf32, #tpu.memory_space<vmem>>
        %dma_start3A_176 = tpu.memref_squeeze %dma_start3A_175 : memref<1x128x64xf32, #tpu.memory_space<vmem>> -> memref<128x64xf32, #tpu.memory_space<vmem>>
        %dma_start3A_177 = arith.constant 0 : i32
        %dma_start3A_178 = tpu.memref_slice %arg5[%add3A_171, %dma_start3A_177] : memref<200x128xi32, #tpu.memory_space<vmem>> -> memref<1x128xi32, #tpu.memory_space<vmem>>
        %dma_start3A_179 = tpu.memref_squeeze %dma_start3A_178 : memref<1x128xi32, #tpu.memory_space<vmem>> -> memref<128xi32, #tpu.memory_space<vmem>>
        %dma_start3A_180 = arith.constant 0 : i32
        %dma_start3A_181 = arith.constant 0 : i32
        %dma_start3A_182 = tpu.memref_slice %arg2[%dma_start3A_180, %dma_start3A_181] : memref<100000x64xf32, #tpu.memory_space<hbm>> -> memref<100000x64xf32, #tpu.memory_space<hbm>>
        tpu.enqueue_indirect_dma source(%dma_start3A_182 : memref<100000x64xf32, #tpu.memory_space<hbm>>) target(%dma_start3A_176 : memref<128x64xf32, #tpu.memory_space<vmem>>) offsets(%dma_start3A_179 : memref<128xi32, #tpu.memory_space<vmem>>) semaphore(%arg8 : memref<!tpu.dma_semaphore, #tpu.memory_space<semaphore_mem>>)
      } else {
      }
    }
    %scan3A_32 = arith.constant 100 : i32
    %add3A_33 = arith.constant 25344 : i32
    %add3A_34 = arith.addi %mul3A_4, %add3A_33 : i32
    %dma_wait3A = arith.constant 0 : i32
    %dma_wait3A_35 = arith.constant 0 : i32
    %dma_wait3A_36 = arith.constant 0 : i32
    %dma_wait3A_37 = tpu.memref_slice %arg6[%dma_wait3A, %dma_wait3A_35, %dma_wait3A_36] : memref<2x128x64xf32, #tpu.memory_space<vmem>> -> memref<1x128x64xf32, #tpu.memory_space<vmem>>
    %dma_wait3A_38 = tpu.memref_squeeze %dma_wait3A_37 : memref<1x128x64xf32, #tpu.memory_space<vmem>> -> memref<128x64xf32, #tpu.memory_space<vmem>>
    %dma_wait3A_39 = arith.constant 0 : i32
    %dma_wait3A_40 = tpu.memref_slice %arg4[%add3A_34, %dma_wait3A_39] : memref<819200x64xf32, #tpu.memory_space<hbm>> -> memref<128x64xf32, #tpu.memory_space<hbm>>
    %dma_wait3A_41 = arith.constant 0 : i32
    %dma_wait3A_42 = tpu.memref_slice %arg4[%add3A_34, %dma_wait3A_41] : memref<819200x64xf32, #tpu.memory_space<hbm>> -> memref<128x64xf32, #tpu.memory_space<hbm>>
    %dma_wait3A_43 = arith.constant 0 : i32
    %dma_wait3A_44 = arith.constant 0 : i32
    %dma_wait3A_45 = tpu.memref_slice %arg6[%dma_wait3A, %dma_wait3A_43, %dma_wait3A_44] : memref<2x128x64xf32, #tpu.memory_space<vmem>> -> memref<1x128x64xf32, #tpu.memory_space<vmem>>
    %dma_wait3A_46 = tpu.memref_squeeze %dma_wait3A_45 : memref<1x128x64xf32, #tpu.memory_space<vmem>> -> memref<128x64xf32, #tpu.memory_space<vmem>>
    tpu.wait_dma2 semaphore(%arg9 : memref<!tpu.dma_semaphore, #tpu.memory_space<semaphore_mem>>) src(%dma_wait3A_46 : memref<128x64xf32, #tpu.memory_space<vmem>>) dst(%dma_wait3A_42 : memref<128x64xf32, #tpu.memory_space<hbm>>)
    %add3A_47 = arith.constant 25472 : i32
    %add3A_48 = arith.addi %mul3A_4, %add3A_47 : i32
    %dma_wait3A_49 = arith.constant 1 : i32
    %dma_wait3A_50 = arith.constant 0 : i32
    %dma_wait3A_51 = arith.constant 0 : i32
    %dma_wait3A_52 = tpu.memref_slice %arg6[%dma_wait3A_49, %dma_wait3A_50, %dma_wait3A_51] : memref<2x128x64xf32, #tpu.memory_space<vmem>> -> memref<1x128x64xf32, #tpu.memory_space<vmem>>
    %dma_wait3A_53 = tpu.memref_squeeze %dma_wait3A_52 : memref<1x128x64xf32, #tpu.memory_space<vmem>> -> memref<128x64xf32, #tpu.memory_space<vmem>>
    %dma_wait3A_54 = arith.constant 0 : i32
    %dma_wait3A_55 = tpu.memref_slice %arg4[%add3A_48, %dma_wait3A_54] : memref<819200x64xf32, #tpu.memory_space<hbm>> -> memref<128x64xf32, #tpu.memory_space<hbm>>
    %dma_wait3A_56 = arith.constant 0 : i32
    %dma_wait3A_57 = tpu.memref_slice %arg4[%add3A_48, %dma_wait3A_56] : memref<819200x64xf32, #tpu.memory_space<hbm>> -> memref<128x64xf32, #tpu.memory_space<hbm>>
    %dma_wait3A_58 = arith.constant 0 : i32
    %dma_wait3A_59 = arith.constant 0 : i32
    %dma_wait3A_60 = tpu.memref_slice %arg6[%dma_wait3A_49, %dma_wait3A_58, %dma_wait3A_59] : memref<2x128x64xf32, #tpu.memory_space<vmem>> -> memref<1x128x64xf32, #tpu.memory_space<vmem>>
    %dma_wait3A_61 = tpu.memref_squeeze %dma_wait3A_60 : memref<1x128x64xf32, #tpu.memory_space<vmem>> -> memref<128x64xf32, #tpu.memory_space<vmem>>
    tpu.wait_dma2 semaphore(%arg10 : memref<!tpu.dma_semaphore, #tpu.memory_space<semaphore_mem>>) src(%dma_wait3A_61 : memref<128x64xf32, #tpu.memory_space<vmem>>) dst(%dma_wait3A_57 : memref<128x64xf32, #tpu.memory_space<hbm>>)
    return
  }
}

module attributes {stable_mosaic.version = 14 : i64} {
  func.func @_premask_body(%arg0: i32, %arg1: memref<1000x1xf32, #tpu.memory_space<vmem>>, %arg2: memref<1000x1xf32, #tpu.memory_space<vmem>>, %arg3: memref<1000x64xf32, #tpu.memory_space<vmem>>, %arg4: memref<1000x64xf32, #tpu.memory_space<vmem>>, %arg5: memref<1000x128xf32, #tpu.memory_space<vmem>>) attributes {dimension_semantics = [#tpu.dimension_semantics<arbitrary>], iteration_bounds = array<i64: 50>, scalar_prefetch = 0 : i64, scratch_operands = 0 : i64, tpu.core_type = #tpu.core_type<tc>, window_params = [{transform_indices = @transform_0, window_bounds = array<i64: 1000, 1>}, {transform_indices = @transform_1, window_bounds = array<i64: 1000, 1>}, {transform_indices = @transform_2, window_bounds = array<i64: 1000, 64>}, {transform_indices = @transform_3, window_bounds = array<i64: 1000, 64>}, {transform_indices = @transform_4, window_bounds = array<i64: 1000, 128>}]} {
    %get3A = arith.constant 0 : index
    %get3A_0 = arith.constant 0 : index
    %get3A_1 = vector.load %arg3[%get3A, %get3A_0] : memref<1000x64xf32, #tpu.memory_space<vmem>>, vector<1000x64xf32>
    %get3A_2 = arith.constant 0 : index
    %get3A_3 = arith.constant 0 : index
    %get3A_4 = vector.load %arg1[%get3A_2, %get3A_3] : memref<1000x1xf32, #tpu.memory_space<vmem>>, vector<1000x1xf32>
    %broadcast_in_dim3A = vector.shape_cast %get3A_4 : vector<1000x1xf32> to vector<1000x1xf32>
    %broadcast_in_dim3A_5 = vector.broadcast %broadcast_in_dim3A : vector<1000x1xf32> to vector<1000x64xf32>
    %mul3A = arith.mulf %get3A_1, %broadcast_in_dim3A_5 : vector<1000x64xf32>
    %get3A_6 = arith.constant 0 : index
    %get3A_7 = arith.constant 0 : index
    %get3A_8 = vector.load %arg4[%get3A_6, %get3A_7] : memref<1000x64xf32, #tpu.memory_space<vmem>>, vector<1000x64xf32>
    %get3A_9 = arith.constant 0 : index
    %get3A_10 = arith.constant 0 : index
    %get3A_11 = vector.load %arg2[%get3A_9, %get3A_10] : memref<1000x1xf32, #tpu.memory_space<vmem>>, vector<1000x1xf32>
    %broadcast_in_dim3A_12 = vector.shape_cast %get3A_11 : vector<1000x1xf32> to vector<1000x1xf32>
    %broadcast_in_dim3A_13 = vector.broadcast %broadcast_in_dim3A_12 : vector<1000x1xf32> to vector<1000x64xf32>
    %mul3A_14 = arith.mulf %get3A_8, %broadcast_in_dim3A_13 : vector<1000x64xf32>
    %concatenate3A = tpu.concatenate %mul3A, %mul3A_14 in 1 : vector<1000x64xf32>, vector<1000x64xf32> -> vector<1000x128xf32>
    %swap3A = arith.constant 0 : index
    %swap3A_15 = arith.constant 0 : index
    %swap3A_16 = vector.load %arg5[%swap3A, %swap3A_15] : memref<1000x128xf32, #tpu.memory_space<vmem>>, vector<1000x128xf32>
    tpu.vector_store %arg5[%swap3A, %swap3A_15], %concatenate3A {strides = array<i32>} : memref<1000x128xf32, #tpu.memory_space<vmem>>, vector<1000x128xf32>,
    return
  }
  func.func @transform_0(%arg0: i32) -> (i32, i32) {
    %mul3A = arith.constant 2 : i32
    %mul3A_0 = arith.muli %mul3A, %arg0 : i32
    %c0_i32 = arith.constant 0 : i32
    %c0_i32_1 = arith.constant 0 : i32
    return %mul3A_0, %c0_i32 : i32, i32
  }
  func.func @transform_1(%arg0: i32) -> (i32, i32) {
    %mul3A = arith.constant 2 : i32
    %mul3A_0 = arith.muli %mul3A, %arg0 : i32
    %add3A = arith.constant 1 : i32
    %add3A_1 = arith.addi %mul3A_0, %add3A : i32
    %c0_i32 = arith.constant 0 : i32
    %c0_i32_2 = arith.constant 0 : i32
    return %add3A_1, %c0_i32 : i32, i32
  }
  func.func @transform_2(%arg0: i32) -> (i32, i32) {
    %mul3A = arith.constant 2 : i32
    %mul3A_0 = arith.muli %mul3A, %arg0 : i32
    %c0_i32 = arith.constant 0 : i32
    %c0_i32_1 = arith.constant 0 : i32
    return %mul3A_0, %c0_i32 : i32, i32
  }
  func.func @transform_3(%arg0: i32) -> (i32, i32) {
    %mul3A = arith.constant 2 : i32
    %mul3A_0 = arith.muli %mul3A, %arg0 : i32
    %add3A = arith.constant 1 : i32
    %add3A_1 = arith.addi %mul3A_0, %add3A : i32
    %c0_i32 = arith.constant 0 : i32
    %c0_i32_2 = arith.constant 0 : i32
    return %add3A_1, %c0_i32 : i32, i32
  }
  func.func @transform_4(%arg0: i32) -> (i32, i32) {
    %c0_i32 = arith.constant 0 : i32
    %c0_i32_0 = arith.constant 0 : i32
    return %arg0, %c0_i32 : i32, i32
  }
}

</mosaic_0001>

<sc_bundles>
// kernel: kernel.4.cloned.1.call-start
scs
__scs_entry_jumppad:
0x0: {  	(pc) =	sbr.rel $0x88, $3  }
0x1: {  	(tag) =	ssettag $0x0;
	lr =	simm.s32 $0x1  }
0x2: {  	[smem:$0x3F9F] =	sst lr;
	_ =	strace $0xD0000000  }
0x3: {  	_ = 	snop  }
0x4: {  	_ = 	snop  }
0x5: {  	_ = 	snop  }
0x6: {  	_ = 	snop  }
0x7: {  	_ = 	snop  }
__scs_overlays_trampoline_lowered:
0x8: {  	[smem:$0x3FAE] =	sst s0  }
0x9: {  	[smem:$0x3FAF] =	sst s1  }
0xa: {  	[smem:$0x3FB0] =	sst s2  }
0xb: {  	[smem:$0x3FB1] =	sst s3  }
0xc: {  	[smem:$0x3FB2] =	sst s4  }
0xd: {  	[smem:$0x3FB3] =	sst s5  }
0xe: {  	[smem:$0x3FB4] =	sst s6  }
0xf: {  	[smem:$0x3FB5] =	sst s7  }
0x10: {  	[smem:$0x3FB6] =	sst s8  }
0x11: {  	[smem:$0x3FB7] =	sst s9;
	s0 =	simm.s32 @!p0 $0x0  }
0x12: {  	s1 =	sld [smem:$0x3F9D];
	s0 =	simm.s32 @p0 $0x1  }
0x13: {  	[smem:$0x3FB8] =	sst s0;
	s0 =	simm.s32 @!p1 $0x0  }
0x14: {  	s2 =	sld [smem:$0x3F9C];
	s0 =	simm.s32 @p1 $0x1  }
0x15: {  	[smem:$0x3FB9] =	sst s0;
	s0 =	simm.s32 @!p2 $0x0  }
0x16: {  	s3 =	sld [smem:$0x3FDB];
	s0 =	simm.s32 @p2 $0x1  }
0x17: {  	s4 =	simm.s32 $0x1BF5;
	[smem:$0x3FBB] =	sst s0  }
0x18: {  	s0 =	sld [smem:$0x3F9E];
	_ =	swait.ge [sflag:s4], $0x0  }
0x19: {  	s7 =	sld [smem:$0x3F9F]  }
0x1a: {  	s8 =	sadd.s32 $0xFFFFE003, lr  }
0x1b: {  	s9 =	sadd.s32 $0xFFFFFEF7, lr;
	s5 =	simm.s32 $0xFFFFFFFF;
	p2 =	slt.u32 s8, $0xFFFFF086  }
0x1c: {  	p1 =	slt.u32 s9, $0xF7A;
	s5 =	simm.s32 @!p2 $0x0  }
0x1d: {  	s5 =	simm.s32 @p1 $0x1;
	p0 =	seq.s32 s7, s2  }
0x1e: {  	s7 =	smul.u32 @!p0 $0xF7A, s2;
	p2 =	seq.s32 @!p0 s5, $0x0  }
0x1f: {  	s9 =	smul.u32 $0xF7A, s1;
	s8 =	simm.s32 @!p0 $0x1BF5;
	p2 =	por !p2, p0  }
0x20: {  	[sflag:s8] =	ssyncset.s32 @!p0 $0xFFFFF086;
	s6 =	sadd.s32 @!p0 s3, s7;
	s7 =	simm.s32 @!p0 $0x108  }
0x21: {  	s3 =	sadd.s32 s3, s9;
	s6 =	sadd.s32 @!p0 $0x88, s6;
	s7 =	simm.s32 @p2 $0x1082  }
0x22: {  	[simem:s7], [sflag:s8] =	dma.local @!p0 [hbm:s6], $0xF7A  }
0x23: {  	s9 =	sor.u32 $0xD0000000, s2;
	s6 =	simm.s32 $0x108;
	_ =	swait.ge @!p0 [sflag:s8], $0x0  }
0x24: {  	s3 =	sadd.s32 $0x88, s3;
	s6 =	simm.s32 @!p1 $0x1082;
	[sflag:s4] =	ssyncset.s32 $0xFFFFF086  }
0x25: {  	[simem:s6], [sflag:s4] =	dma.local [hbm:s3], $0xF7A  }
0x26: {  	[smem:$0x3F9F] =	sst s1;
	(tag) =	ssettag s2;
	_ =	strace s9  }
0x27: {  	s1 =	sld [smem:$0x3FAF]  }
0x28: {  	s2 =	sld [smem:$0x3FB0]  }
0x29: {  	s4 =	sld [smem:$0x3FB2]  }
0x2a: {  	p0 =	seq.s32 s5, $0x0;
	s5 =	sld [smem:$0x3FB3]  }
0x2b: {  	s6 =	sld [smem:$0x3FB4]  }
0x2c: {  	s7 =	sld [smem:$0x3FB5]  }
0x2d: {  	s3 =	simm.s32 $0x108;
	s8 =	sld [smem:$0x3FB6]  }
0x2e: {  	s3 =	simm.s32 @!p0 $0x1082;
	s9 =	sld [smem:$0x3FB7]  }
0x2f: {  	lr =	sadd.s32 s0, s3;
	s0 =	sld [smem:$0x3FAE]  }
0x30: {  	s3 =	sld [smem:$0x3FB1]  }
0x31: {  	[smem:$0x3FBA] =	sst s10  }
0x32: {  	s10 =	sld [smem:$0x3FB8];
	_ =	sdelay $0x3  }
0x33: {  	p0 =	seq.s32 s10, $0x1;
	s10 =	sld [smem:$0x3FBA];
	_ =	sdelay $0x3  }
0x34: {  	[smem:$0x3FBA] =	sst s10  }
0x35: {  	s10 =	sld [smem:$0x3FB9];
	_ =	sdelay $0x3  }
0x36: {  	p1 =	seq.s32 s10, $0x1;
	s10 =	sld [smem:$0x3FBA];
	_ =	sdelay $0x3  }
0x37: {  	[smem:$0x3FBA] =	sst s10  }
0x38: {  	s10 =	sld [smem:$0x3FBB]  }
0x39: {  	_ = 	snop;
	(pc) =	sbr.ind lr, $3  }
0x3a: {  	_ = 	snop  }
0x3b: {  	_ = 	snop  }
0x3c: {  	p2 =	seq.s32 s10, $0x1;
	s10 =	sld [smem:$0x3FBA]  }
0x3d: {  	_ =	shalt  }
0x3e: {  	_ =	shalt  }
0x3f: {  	_ =	shalt  }
0x40: {  	_ =	shalt  }
0x41: {  	_ =	shalt  }
0x42: {  	_ =	shalt  }
0x43: {  	_ =	shalt  }
0x44: {  	_ =	shalt  }
0x45: {  	_ =	shalt  }
0x46: {  	_ =	shalt  }
0x47: {  	_ =	shalt  }
0x48: {  	_ =	shalt  }
0x49: {  	_ =	shalt  }
0x4a: {  	_ =	shalt  }
0x4b: {  	_ =	shalt  }
0x4c: {  	_ =	shalt  }
0x4d: {  	_ =	shalt  }
0x4e: {  	_ =	shalt  }
0x4f: {  	_ =	shalt  }
0x50: {  	_ =	shalt  }
0x51: {  	_ =	shalt  }
0x52: {  	_ =	shalt  }
0x53: {  	_ =	shalt  }
0x54: {  	_ =	shalt  }
0x55: {  	_ =	shalt  }
0x56: {  	_ =	shalt  }
0x57: {  	_ =	shalt  }
0x58: {  	_ =	shalt  }
0x59: {  	_ =	shalt  }
0x5a: {  	_ =	shalt  }
0x5b: {  	_ =	shalt  }
0x5c: {  	_ =	shalt  }
0x5d: {  	_ =	shalt  }
0x5e: {  	_ =	shalt  }
0x5f: {  	_ =	shalt  }
0x60: {  	_ =	shalt  }
0x61: {  	_ =	shalt  }
0x62: {  	_ =	shalt  }
0x63: {  	_ =	shalt  }
0x64: {  	_ =	shalt  }
0x65: {  	_ =	shalt  }
0x66: {  	_ =	shalt  }
0x67: {  	_ =	shalt  }
0x68: {  	_ =	shalt  }
0x69: {  	_ =	shalt  }
0x6a: {  	_ =	shalt  }
0x6b: {  	_ =	shalt  }
0x6c: {  	_ =	shalt  }
0x6d: {  	_ =	shalt  }
0x6e: {  	_ =	shalt  }
0x6f: {  	_ =	shalt  }
0x70: {  	_ =	shalt  }
0x71: {  	_ =	shalt  }
0x72: {  	_ =	shalt  }
0x73: {  	_ =	shalt  }
0x74: {  	_ =	shalt  }
0x75: {  	_ =	shalt  }
0x76: {  	_ =	shalt  }
0x77: {  	_ =	shalt  }
0x78: {  	_ =	shalt  }
0x79: {  	_ =	shalt  }
0x7a: {  	_ =	shalt  }
0x7b: {  	_ =	shalt  }
0x7c: {  	_ =	shalt  }
0x7d: {  	_ =	shalt  }
0x7e: {  	_ =	shalt  }
0x7f: {  	_ =	shalt  }
0x80: {  	_ =	shalt  }
0x81: {  	_ =	shalt  }
0x82: {  	_ =	shalt  }
0x83: {  	_ =	shalt  }
0x84: {  	_ =	shalt  }
0x85: {  	_ =	shalt  }
0x86: {  	_ =	shalt  }
0x87: {  	_ =	shalt  }
.Lfunc_end0:
.L_simem_size_0:
called_computation.1_lowered:
.L_overlay_start_0:
0x88: {  	s2 =	sld [smem:$0x3FD9]  }
0x89: {  	s3 =	sld [smem:$0x3FFE];
	_ =	sdelay $0x1  }
0x8a: {  	s1 =	srdreg.scid  }
0x8b: {  	s0 =	sand.u32 $0x1, s1  }
0x8c: {  	s17 =	sshll.u32 s0, $0xA;
	s2 =	sadd.s32 s3, s2  }
0x8d: {  	s2 =	sadd.s32 s2, s17  }
0x8e: {  	[smem:$0x3FC6] =	sst s2  }
0x8f: {  	_ = 	snop  }
0x90: {  	s2 =	sld [smem:$0x3FD0];
	(tm) =	ssettm $0x1  }
0x91: {  	s18 =	sld [smem:$0x3FFB];
	_ =	sdelay $0x3  }
0x92: {  	_ =	strace s18  }
0x93: {  	s3 =	sld [smem:$0x3FFC];
	_ =	sdelay $0x3  }
0x94: {  	_ =	strace s3  }
0x95: {  	s3 =	sld [smem:$0x3FFD];
	_ =	sdelay $0x3  }
0x96: {  	_ =	strace s3  }
0x97: {  	_ =	strace $0x8FFFFFFF  }
0x98: {  	s19 =	sld [smem:$0x3FDB];
	_ =	sdelay $0x1  }
0x99: {  	s4 =	simm.s32 $_scs_section_size  }
0x9a: {  	s5 =	simm.s32 $_size__tile_overlayer_lowered;
	s6 =	simm.s32 $_tile_overlayer_lowered  }
0x9b: {  	s22 =	simm.s32 $0x1BFF;
	s21 =	sshll.u32 s6, $0x1;
	s3 =	sadd.s32 s4, s19  }
0x9c: {  	s7 =	simm.s32 $0x0;
	s20 =	sshll.u32 s5, $0x1;
	s5 =	sadd.s32 s21, s3  }
0x9d: {  	[timem:s7], [sflag:s22] =	dma.local [hbm:s5], s20  }
0x9e: {  	_ =	swait.ge [sflag:s22], s20  }
0x9f: {  	s4 =	ssub.s32 $0x0, s20;
	[sflag:s22] =	ssyncset.done $0x0  }
0xa0: {  	[sflag:s22] =	ssyncadd.s32 s4;
	_ =	sdelay $0x1  }
0xa1: {  	s23 =	simm.s32 $0x1B8B  }
0xa2: {  	_ =	swait.ge [sflag:s23], $0x1  }
0xa3: {  	[sflag:s23] =	ssyncset.done $0x0  }
0xa4: {  	s25 =	simm.s32 $0x1B8E;
	s24 =	sld [smem:$0x3FFE];
	[sflag:s23] =	ssyncadd.s32 $0xFFFFFFFF  }
0xa5: {  	s26 =	simm.s32 $execute0_lowered;
	[smem:$0x3FD2] =	sst s25  }
0xa6: {  	s5 =	sshll.u32 s26, $0x1;
	_ =	strace $0x80000046;
	[dreg:$0x1] =	wrdreg $0xFFFFFFFF  }
0xa7: {  	s28 =	simm.s32 $_size_execute0_lowered;
	s3 =	sadd.s32 s3, s5;
	[dreg:$0x0] =	wrdreg $0x0  }
0xa8: {  	s5 =	sshll.u32 s28, $0x1;
	[dreg:$0x2] =	wrdreg s3  }
0xa9: {  	[dreg:$0x3] =	wrdreg s5  }
0xaa: {  	[dreg:$0x4] =	wrdreg $0xC0  }
0xab: {  	_ =	task [dreg:s7], $0x5FFFF  }
0xac: {  	[dreg:$0x1] =	wrdreg $0xFFFFFFFF  }
0xad: {  	[dreg:$0x0] =	wrdreg $0x60  }
0xae: {  	[dreg:$0x2] =	wrdreg s24  }
0xaf: {  	[dreg:$0x3] =	wrdreg s2  }
0xb0: {  	[dreg:$0x4] =	wrdreg $0x9  }
0xb1: {  	_ =	task.clear_ibuf [dreg:s7], $0x5FFFF;
	_ =	strace $0x90000046  }
0xb2: {  	s29 =	simm.s32 $0x9;
	_ =	strace $0x80000048  }
0xb3: {  	_ =	swait.ge [sflag:s29], $0x1  }
0xb4: {  	[sflag:s29] =	ssyncadd.s32 $0xFFFFFFFF  }
0xb5: {  	_ =	strace $0x90000048  }
0xb6: {  	_ =	sfence  }
0xb7: {  	s30 =	sld [smem:$0x0];
	_ =	sdelay $0x2  }
0xb8: {  	s31 =	sshll.u32 s1, $0xD;
	s1 =	sshrl.u32 s1, $0x2  }
0xb9: {  	s3 =	sand.u32 $0x4000, s31;
	s1 =	sadd.s32 s1, s30  }
0xba: {  	s0 =	sor.u32 s3, s0;
	s1 =	sshll.u32 s1, $0x11  }
0xbb: {  	s0 =	sor.u32 s1, s0  }
0xbc: {  	s0 =	sadd.s32 $0x8F2B, s0  }
0xbd: {  	[sflag:s0] =	ssyncadd.remote.s32 $0x1  }
0xbe: {  	_ =	sfence.sel $0xFFFF  }
0xbf: {  	[dreg:$0x0] =	wrdreg $0xFFFFFFFF;
	(pc) =	sbr.abs _section_cstart, $3  }
0xc0: {  	[dreg:$0x1] =	wrdreg $0xFFFFFFFF  }
0xc1: {  	_ =	task.clear_ibuf [dreg:s7], $0x2FFFF;
	_ =	strace $0x9FFFFFFF  }
0xc2: {  	(tm) =	ssettm $0x7FFFFFFF  }
0xc3: {  	_ =	shalt  }
tec
execute0_lowered:
.L_overlay_start_1:
0x0: {  	(tag) =	ssettag $0x1  }
0x1: {  	s1 =	srdreg.scid  }
0x2: {  	s0 =	stileid.u32;
	s4 =	rddreg [dreg:$0x0]  }
0x3: {  	s9 =	rddreg [dreg:$0x1];
	s2 =	simm.s32 $0x0;
	s12 =	smul.u32 $0x64000, s0  }
0x4: {  	s14 =	simm.s32 $0x1;
	s6 =	sand.u32 $0x1, s1;
	s26 =	smul.u32 $0x320000, s0  }
0x5: {  	s15 =	simm.s32 $0x2;
	s24 =	sshll.u32 s0, $0x1;
	s28 =	smul.u32 $0x190000, s6  }
0x6: {  	s16 =	simm.s32 $0x3;
	s3 =	sor.u32 s6, s24;
	s13 =	smul.u32 $0x32000, s6  }
0x7: {  	s17 =	simm.s32 $0x4;
	s1 =	rddreg [dreg:$0x2];
	s5 =	smul.u32 $0xC80, s3  }
0x8: {  	s18 =	simm.s32 $0x0;
	[smem:$0x7FF] =	sst s2;
	s7 =	smul.u32 $0x190000, s3  }
0x9: {  	_ =	strace $0x80000047;
	s8 =	ssub.s32 $0x2, s6;
	s10 =	smul.u32 $0x32000, s3  }
0xa: {  	s3 =	sadd.s32 $0x1A8800, s4;
	s11 =	sshrl.u32 s8, $0x1;
	s29 =	sadd.s32 s12, s9  }
0xb: {  	s12 =	simm.s32 $0x6400;
	s25 =	ssub.s32 s8, s11;
	s8 =	sadd.s32 s28, s26  }
0xc: {  	s30 =	sadd.s32 s13, s29;
	s11 =	simm.s32 $0x80;
	s13 =	simm.s32 $0x8400  }
0xd: {  	s4 =	sadd.s32 s5, s4;
	s7 =	sshrl.u32 s7, $0x3;
	s5 =	smax.u32 s25, $0x1  }
0xe: {  	s10 =	sadd.s32 s10, s9;
	s31 =	sshrl.u32 s8, $0x3;
	s8 =	sadd.s32 $0x400, s30  }
0xf: {  	s4 =	sadd.s32 $0x2A00, s4;
	s7 =	sadd.s32 s9, s7;
	s9 =	sadd.s32 s31, s9  }
0x10: {  	s6 =	sadd.s32 $0x31800, s7;
	s7 =	sadd.s32 $0x31C00, s10;
	s10 =	simm.s32 $0x5  }
.LBB2_1:
0x11: {  	[tilespmem:s2], [sflag:$0x5] =	stream.linear.gather [hbm4b:s4+s2], $0x6400, $0x38;
	[tilespmem:$0xA400] =	vst v63  }
0x12: {  	_ =	swait.ge [sflag:s10], $0x6400  }
0x13: {  	[sflag:s10] =	ssyncset.done $0x0  }
0x14: {  	[sflag:s10] =	ssyncadd.s32 $0xFFFF9C00  }
0x15: {  	[tilespmem:s12], [sflag:$0x1] =	stream.indirect.gather [hbm4b:s3+s11], $0x40, s2, s11, $0xb8;
	[tilespmem:$0xA400] =	vst v63  }
0x16: {  	_ = 	snop  }
0x17: {  	[tilespmem:s13], [sflag:$0x2] =	stream.indirect.gather [hbm4b:s3+s11], $0x40, s11, s11, $0xb8;
	[tilespmem:$0xA400] =	vst v63  }
0x18: {  	_ =	swait.ge [sflag:s14], $0x2000  }
0x19: {  	[sflag:s14] =	ssyncset.done $0x0  }
0x1a: {  	s19 =	sadd.s32 $0x0, s9;
	[sflag:s14] =	ssyncadd.s32 $0xFFFFE000  }
0x1b: {  	[hbm4b:s19+s2] =	stream.linear.scatter [tilespmem:s12], [sflag:$0x3], $0x2000, $0x38;
	[tilespmem:$0xA400] =	vst v63  }
0x1c: {  	_ =	swait.ge [sflag:s15], $0x2000  }
0x1d: {  	[sflag:s15] =	ssyncset.done $0x0  }
0x1e: {  	s30 =	sadd.s32 $0x0, s8;
	[sflag:s15] =	ssyncadd.s32 $0xFFFFE000  }
0x1f: {  	[hbm4b:s30+s2] =	stream.linear.scatter [tilespmem:s13], [sflag:$0x4], $0x2000, $0x38;
	[tilespmem:$0xA400] =	vst v63  }
0x20: {  	_ =	swait.ge [sflag:s16], $0x2000  }
0x21: {  	[sflag:s16] =	ssyncset.done $0x0  }
0x22: {  	s31 =	simm.s32 $0x100;
	[sflag:s16] =	ssyncadd.s32 $0xFFFFE000  }
0x23: {  	[tilespmem:s12], [sflag:$0x1] =	stream.indirect.gather [hbm4b:s3+s11], $0x40, s31, s11, $0xb8;
	[tilespmem:$0xA400] =	vst v63  }
0x24: {  	_ =	swait.ge [sflag:s17], $0x2000  }
0x25: {  	s20 =	simm.s32 $0x800;
	[sflag:s17] =	ssyncset.done $0x0  }
0x26: {  	s21 =	simm.s32 $0x280;
	s19 =	simm.s32 $0x180;
	[sflag:s17] =	ssyncadd.s32 $0xFFFFE000  }
.LBB2_2:
0x27: {  	[tilespmem:s13], [sflag:$0x2] =	stream.indirect.gather [hbm4b:s3+s11], $0x40, s19, s11, $0xb8;
	[tilespmem:$0xA400] =	vst v63  }
0x28: {  	s22 =	smov.u32 s20;
	s19 =	smov.u32 s21  }
0x29: {  	p0 =	sne.s32 s20, $0x31000;
	s20 =	sadd.s32 $0x800, s20;
	_ =	swait.ge [sflag:s14], $0x2000  }
0x2a: {  	[sflag:s14] =	ssyncset.done $0x0  }
0x2b: {  	s23 =	sadd.s32 s22, s9;
	[sflag:s14] =	ssyncadd.s32 $0xFFFFE000  }
0x2c: {  	[hbm4b:s23+s2] =	stream.linear.scatter [tilespmem:s12], [sflag:$0x3], $0x2000, $0x38;
	[tilespmem:$0xA400] =	vst v63  }
0x2d: {  	_ =	swait.ge [sflag:s15], $0x2000  }
0x2e: {  	[sflag:s15] =	ssyncset.done $0x0  }
0x2f: {  	s22 =	sadd.s32 s22, s8;
	[sflag:s15] =	ssyncadd.s32 $0xFFFFE000  }
0x30: {  	[hbm4b:s22+s2] =	stream.linear.scatter [tilespmem:s13], [sflag:$0x4], $0x2000, $0x38;
	[tilespmem:$0xA400] =	vst v63  }
0x31: {  	_ =	swait.ge [sflag:s16], $0x2000  }
0x32: {  	[sflag:s16] =	ssyncset.done $0x0  }
.Ltmp0:
0x33: {  	s22 =	sadd.s32 $0xFFFFFF80, s21;
	[sflag:s16] =	ssyncadd.s32 $0xFFFFE000;
	(pc) =	sbr.rel @p0 .LBB2_2-.Ltmp0, $4  }
0x34: {  	[tilespmem:s12], [sflag:$0x1] =	stream.indirect.gather [hbm4b:s3+s11], $0x40, s22, s11, $0xb8;
	[tilespmem:$0xA400] =	vst v63  }
0x35: {  	_ =	swait.ge [sflag:s17], $0x2000  }
0x36: {  	[sflag:s17] =	ssyncset.done $0x0  }
0x37: {  	s21 =	sadd.s32 $0x100, s21;
	[sflag:s17] =	ssyncadd.s32 $0xFFFFE000  }
0x38: {  	[tilespmem:s13], [sflag:$0x2] =	stream.indirect.gather [hbm4b:s3+s11], $0x40, s19, s11, $0xb8;
	[tilespmem:$0xA400] =	vst v63  }
0x39: {  	_ =	swait.ge [sflag:s14], $0x2000  }
0x3a: {  	[sflag:s14] =	ssyncset.done $0x0  }
0x3b: {  	[sflag:s14] =	ssyncadd.s32 $0xFFFFE000  }
0x3c: {  	[hbm4b:s6+s2] =	stream.linear.scatter [tilespmem:s12], [sflag:$0x3], $0x2000, $0x38;
	[tilespmem:$0xA400] =	vst v63  }
0x3d: {  	_ =	swait.ge [sflag:s15], $0x2000  }
0x3e: {  	[sflag:s15] =	ssyncset.done $0x0  }
0x3f: {  	s18 =	sadd.s32 $0x1, s18;
	[sflag:s15] =	ssyncadd.s32 $0xFFFFE000  }
0x40: {  	[hbm4b:s7+s2] =	stream.linear.scatter [tilespmem:s13], [sflag:$0x4], $0x2000, $0x38;
	[tilespmem:$0xA400] =	vst v63  }
0x41: {  	p0 =	sne.s32 s18, s5;
	_ =	swait.ge [sflag:s16], $0x2000  }
.Ltmp1:
0x42: {  	[sflag:s16] =	ssyncset.done $0x0;
	(pc) =	sbr.rel @p0 .LBB2_1-.Ltmp1, $4  }
0x43: {  	[sflag:s16] =	ssyncadd.s32 $0xFFFFE000  }
0x44: {  	_ =	swait.ge [sflag:s17], $0x2000  }
0x45: {  	[sflag:s17] =	ssyncset.done $0x0  }
0x46: {  	[sflag:s17] =	ssyncadd.s32 $0xFFFFE000  }
0x47: {  	_ =	sfence.sel $0x180000  }
0x48: {  	[bflag:$0x0] =	sbarrier.arrive $0xFFFF  }
0x49: {  	p0 =	sne.s32 s0, $0x0;
	_ =	strace $0x90000047  }
0x4a: {  	s0 =	sadd.s32 @!p0 $0x100000, s1;
	[bflag:$0x2] =	sbarrier.arrive $0xFFFF  }
0x4b: {  	[sflag:s0] =	ssyncadd.tile.s32 @!p0 $0x1;
	_ =	shalt  }
.Lfunc_end2:
_tile_overlayer_lowered:
.L_overlay_start_2:
0x4c: {  	(tag) =	ssettag $0x2  }
0x4d: {  	s0 =	rddreg [dreg:$0x0];
	s2 =	stileid.u32  }
0x4e: {  	s1 =	rddreg [dreg:$0x1];
	p0 =	sne.s32 s2, $0x0  }
0x4f: {  	s3 =	rddreg [dreg:$0x2];
	[bflag:$0x3] =	sbarrier.arrive $0xFFFF;
	s2 =	simm.s32 @!p0 $0x1C05  }
0x50: {  	[timem:s3], [sflag:s2] =	dma.local @!p0 [hbm:s0], s1  }
0x51: {  	s0 =	simm.s32 @!p0 $0x5  }
0x52: {  	_ =	swait.ge @!p0 [sflag:s0], s1  }
0x53: {  	s1 =	ssub.s32 @!p0 $0x0, s1;
	[sflag:s0] =	ssyncset.done @!p0 $0x0  }
0x54: {  	[sflag:s0] =	ssyncadd.s32 @!p0 s1  }
0x55: {  	[bflag:$0x3] =	sbarrier.arrive $0xFFFF  }
0x56: {  	_ =	shalt  }

// kernel: sparse-core-data-format-call.cloned.1.call-start
scs
called_computation_lowered:
.L_overlay_start_0:
0x0: {  	s2 =	sld [smem:$0x3FD9]  }
0x1: {  	s3 =	sld [smem:$0x3FFE];
	_ =	sdelay $0x1  }
0x2: {  	s1 =	srdreg.scid  }
0x3: {  	s0 =	sand.u32 $0x1, s1  }
0x4: {  	s18 =	sshll.u32 s0, $0xA;
	s2 =	sadd.s32 s3, s2  }
0x5: {  	s2 =	sadd.s32 s2, s18  }
0x6: {  	[smem:$0x3FC6] =	sst s2  }
0x7: {  	_ = 	snop  }
0x8: {  	s2 =	sld [smem:$0x3FD0];
	(tm) =	ssettm $0x1  }
0x9: {  	s19 =	sld [smem:$0x3FFB];
	_ =	sdelay $0x3  }
0xa: {  	_ =	strace s19  }
0xb: {  	s3 =	sld [smem:$0x3FFC];
	_ =	sdelay $0x3  }
0xc: {  	_ =	strace s3  }
0xd: {  	s3 =	sld [smem:$0x3FFD];
	_ =	sdelay $0x3  }
0xe: {  	_ =	strace s3  }
0xf: {  	_ =	strace $0x8FFFFFFF  }
0x10: {  	s20 =	sld [smem:$0x3FDB];
	_ =	sdelay $0x1  }
0x11: {  	s4 =	simm.s32 $_scs_section_size  }
0x12: {  	s5 =	simm.s32 $_size__tile_overlayer_lowered;
	s6 =	simm.s32 $_tile_overlayer_lowered  }
0x13: {  	s23 =	simm.s32 $0x1BFF;
	s22 =	sshll.u32 s6, $0x1;
	s3 =	sadd.s32 s4, s20  }
0x14: {  	s7 =	simm.s32 $0x0;
	s21 =	sshll.u32 s5, $0x1;
	s5 =	sadd.s32 s22, s3  }
0x15: {  	[timem:s7], [sflag:s23] =	dma.local [hbm:s5], s21  }
0x16: {  	_ =	swait.ge [sflag:s23], s21  }
0x17: {  	s4 =	ssub.s32 $0x0, s21;
	[sflag:s23] =	ssyncset.done $0x0  }
0x18: {  	[sflag:s23] =	ssyncadd.s32 s4;
	_ =	sdelay $0x1  }
0x19: {  	s24 =	simm.s32 $0x1B8B  }
0x1a: {  	_ =	swait.ge [sflag:s24], $0x1  }
0x1b: {  	[sflag:s24] =	ssyncset.done $0x0  }
0x1c: {  	s26 =	simm.s32 $0x1B8E;
	s25 =	sld [smem:$0x3FFE];
	[sflag:s24] =	ssyncadd.s32 $0xFFFFFFFF  }
0x1d: {  	s27 =	simm.s32 $execute0_lowered;
	[smem:$0x3FD2] =	sst s26  }
0x1e: {  	s5 =	sshll.u32 s27, $0x1;
	_ =	strace $0x80000049;
	[dreg:$0x1] =	wrdreg $0xFFFFFFFF  }
0x1f: {  	s28 =	simm.s32 $_size_execute0_lowered;
	s3 =	sadd.s32 s3, s5;
	[dreg:$0x0] =	wrdreg $0x0  }
0x20: {  	s5 =	sshll.u32 s28, $0x1;
	[dreg:$0x2] =	wrdreg s3  }
0x21: {  	[dreg:$0x3] =	wrdreg s5  }
0x22: {  	[dreg:$0x4] =	wrdreg $0xC0  }
0x23: {  	_ =	task [dreg:s7], $0x5FFFF  }
0x24: {  	[dreg:$0x1] =	wrdreg $0xFFFFFFFF  }
0x25: {  	[dreg:$0x0] =	wrdreg $0x60  }
0x26: {  	[dreg:$0x2] =	wrdreg s25  }
0x27: {  	[dreg:$0x3] =	wrdreg s2  }
0x28: {  	[dreg:$0x4] =	wrdreg $0x9  }
0x29: {  	_ =	task.clear_ibuf [dreg:s7], $0x5FFFF;
	_ =	strace $0x90000049  }
0x2a: {  	s29 =	simm.s32 $0x9;
	_ =	strace $0x8000004B  }
0x2b: {  	_ =	swait.ge [sflag:s29], $0x1  }
0x2c: {  	[sflag:s29] =	ssyncadd.s32 $0xFFFFFFFF  }
0x2d: {  	_ =	strace $0x9000004B  }
0x2e: {  	_ =	sfence  }
0x2f: {  	s30 =	sld [smem:$0x0];
	_ =	sdelay $0x2  }
0x30: {  	s31 =	sshll.u32 s1, $0xD;
	s1 =	sshrl.u32 s1, $0x2  }
0x31: {  	s3 =	sand.u32 $0x4000, s31;
	s1 =	sadd.s32 s1, s30  }
0x32: {  	s0 =	sor.u32 s3, s0;
	s1 =	sshll.u32 s1, $0x11  }
0x33: {  	s0 =	sor.u32 s1, s0  }
0x34: {  	s0 =	sadd.s32 $0x8F2B, s0  }
0x35: {  	[sflag:s0] =	ssyncadd.remote.s32 $0x1  }
0x36: {  	_ =	sfence.sel $0xFFFF  }
0x37: {  	[dreg:$0x0] =	wrdreg $0xFFFFFFFF;
	(pc) =	sbr.abs _section_cstart, $3  }
0x38: {  	[dreg:$0x1] =	wrdreg $0xFFFFFFFF  }
0x39: {  	_ =	task.clear_ibuf [dreg:s7], $0x2FFFF;
	_ =	strace $0x9FFFFFFF  }
0x3a: {  	(tm) =	ssettm $0x7FFFFFFF  }
0x3b: {  	_ =	shalt  }
tec
execute0_lowered:
.L_overlay_start_1:
0x0: {  	(tag) =	ssettag $0x1  }
0x1: {  	s0 =	srdreg.scid  }
0x2: {  	s1 =	sshll.u32 s0, $0x4  }
0x3: {  	s0 =	stileid.u32;
	s1 =	sand.u32 $0x10, s1  }
0x4: {  	s1 =	sor.u32 s0, s1  }
0x5: {  	s6 =	rddreg [dreg:$0x0];
	s4 =	simm.s32 $0x1;
	s2 =	sshll.u32 s1, $0x7  }
0x6: {  	s7 =	simm.s32 $0x2;
	s12 =	simm.s32 $0x0;
	s1 =	ssub.s32 $0x1000, s2  }
0x7: {  	s8 =	simm.s32 $0x8000;
	s13 =	simm.s32 $0x0;
	s3 =	sand.u32 $0xF80, s1  }
0x8: {  	s9 =	simm.s32 $0x0;
	s5 =	sshrl.u32 s1, $0xC;
	p0 =	sne.s32 s3, $0x0  }
.Ltmp0:
0x9: {  	s1 =	rddreg [dreg:$0x2];
	s4 =	simm.s32 @!p0 $0x0;
	(pc) =	sbr.rel .LBB1_1-.Ltmp0, $4  }
0xa: {  	s11 =	simm.s32 $0x0;
	s3 =	rddreg [dreg:$0x1];
	s5 =	sadd.s32 s4, s5  }
0xb: {  	_ =	strace $0x8000004A;
	s4 =	simm.s32 $0x1;
	s5 =	smul.u32 $0xC8, s5  }
0xc: {  	s6 =	sadd.s32 $0x2A00, s6;
	s10 =	smov.u32 s2;
	[sflag:s4] =	ssyncpa.u1 $0x0  }
0xd: {  	p0 =	por $0x0, $0x0;
	[sflag:s7] =	ssyncpa.u1 $0x0;
	s7 =	sor.u32 $0x1, s5  }
.LBB1_4:
0xe: {  	s16 =	sshll.u32 s13, $0x3;
	s17 =	sand.u32 $0x78, s13  }
0xf: {  	s30 =	sand.u32 $0x7E00, s13;
	s12 =	sshll.u32 s12, $0xF;
	s16 =	sand.u32 $0xC00, s16  }
0x10: {  	[tilespmem:s15+$0x810 ss:$0x81] =	vst.msk $0xffff, v2;
	s31 =	sand.u32 $0x7, s13;
	s16 =	sor.u32 s17, s16;
	s17 =	sadd.s32 s3, s30  }
0x11: {  	[tilespmem:s15+$0x1020 ss:$0x81] =	vst.msk $0xffff, v0;
	s13 =	sshll.u32 s31, $0x12;
	s12 =	sadd.s32 s12, s17;
	s16 =	sshrl.u32 s16, $0x3  }
0x12: {  	[tilespmem:s15+$0x0 ss:$0x81] =	vst.msk $0xffff, v1;
	s13 =	sor.u32 $0x400, s13;
	s12 =	sadd.s32 s16, s12  }
0x13: {  	[hbm4b:s12+s13] =	stream.strided.scatter [tilespmem:s14], [sflag:$0x2], $0x2000, s8, s13, $0x20;
	[tilespmem:$0x8080] =	vst v63  }
.LBB1_5:
0x14: {  	s14 =	sadd.s32 $0x1, s9  }
0x15: {  	s12 =	sadd.s32 $0x1000, s10;
	s16 =	smov.u32 s10;
	p2 =	sgt.s32 s14, $0xC7  }
0x16: {  	s16 =	smov.u32 @p2 s12  }
0x17: {  	s14 =	simm.s32 @p2 $0x0;
	p2 =	sgt.s32 s16, $0xFFF  }
0x18: {  	s16 =	smov.u32 @p2 s2;
	p2 =	sne.s32 s11, s7  }
.Ltmp1:
0x19: {  	p1 =	slt.u32 s11, $0x2;
	(pc) =	sbr.rel @!p2 .LBB1_6-.Ltmp1, $4  }
0x1a: {  	s15 =	simm.s32 @!p1 $0x2  }
0x1b: {  	s13 =	smov.u32 s10;
	p0 =	por !p0, !p0;
	_ =	swait.ge @!p1 [sflag:s15], $0x2000  }
0x1c: {  	s12 =	smov.u32 s9;
	[sflag:s15] =	ssyncset.done @!p1 $0x0;
	s9 =	smov.u32 s14  }
0x1d: {  	s11 =	sadd.s32 $0x1, s11;
	[sflag:s15] =	ssyncadd.s32 @!p1 $0xFFFFE000;
	s10 =	smov.u32 s16  }
.LBB1_1:
0x1e: {  	p1 =	sge.u32 s11, s5  }
0x1f: {  	s14 =	sand.u32 @!p1 $0x1FFFFFF, s9  }
0x20: {  	s15 =	smulhi.u32 @!p1 $0x147AE15, s14;
	_ =	sdelay $0x1  }
0x21: {  	s15 =	smul.u32 @!p1 $0xC8, s15  }
0x22: {  	s16 =	sxor.u32 @!p1 $0xFFFFFFFF, s11;
	s17 =	smul.u32 @!p1 $0xC80, s10  }
0x23: {  	s31 =	sadd.s32 $0xFFFFFFFF, s11;
	s16 =	sshll.u32 @!p1 s16, $0xD;
	s14 =	ssub.s32 @!p1 s14, s15  }
0x24: {  	s15 =	sand.u32 @!p1 $0x2000, s16;
	s16 =	sadd.s32 @!p1 s6, s17;
	s14 =	sshll.u32 @!p1 s14, $0x4  }
0x25: {  	s17 =	simm.s32 @!p1 $0x6400;
	s14 =	sadd.s32 @!p1 s14, s16;
	s16 =	simm.s32 @!p1 $0x40  }
0x26: {  	[tilespmem:s15], [sflag:$0x1] =	stream.strided.gather @!p1 [hbm4b:s14+s16], $0x2000, s17, s16, $0x38;
	[tilespmem:$0x8080] =	vst v63  }
0x27: {  	p1 =	sge.u32 s31, s5  }
.Ltmp2:
0x28: {  	_ = 	snop;
	(pc) =	sbr.rel @p1 .LBB1_5-.Ltmp2, $1  }
0x29: {  	_ =	sdelay $0x3  }
0x2a: {  	s14 =	simm.s32 $0x1  }
0x2b: {  	_ =	swait.ge [sflag:s4], $0x2000;
	s14 =	simm.s32 @!p0 $0x0  }
0x2c: {  	[sflag:s4] =	ssyncset.done $0x0;
	s15 =	sshll.u32 s14, $0xD  }
0x2d: {  	[sflag:s4] =	ssyncadd.s32 $0xFFFFE000;
	s18 =	sor.u32 $0x20, s15  }
0x2e: {  	s14 =	smul.u32 $0x8100, s14;
	v3 =	vld [tilespmem:s18+$0x10]  }
0x2f: {  	s30 =	sand.u32 $0x1, s11;
	v2 =	vld [tilespmem:s18+$0xFFFFFFF0]  }
0x30: {  	s15 =	smul.u32 $0x8100, s30;
	s14 =	sshrl.u32 s14, $0x2;
	v0 =	vld [tilespmem:s18+$0x0]  }
0x31: {  	v1 =	vld [tilespmem:s18+$0xFFFFFFE0];
	s16 =	sor.u32 $0x4000, s14  }
0x32: {  	s31 =	sshrl.u32 s15, $0x2;
	s15 =	sadd.s32 $0x0, s16  }
0x33: {  	s17 =	simm.s32 $0x4;
	s18 =	sadd.s32 $0x40, s18;
	s14 =	sor.u32 $0x4000, s31;
	[tilespmem:s15+$0x1830 ss:$0x81] =	vst.msk $0xffff, v3  }
.LBB1_3:
0x34: {  	v3 =	vld [tilespmem:s18+$0x10];
	p1 =	sne.s32 s17, $0x1FC;
	[tilespmem:s15+$0x810 ss:$0x81] =	vst.msk $0xffff, v2;
	s19 =	smov.u32 s17;
	s17 =	sadd.s32 $0x4, s17  }
.Ltmp3:
0x35: {  	v2 =	vld [tilespmem:s18+$0xFFFFFFF0];
	[tilespmem:s15+$0x1020 ss:$0x81] =	vst.msk $0xffff, v0;
	(pc) =	sbr.rel @p1 .LBB1_3-.Ltmp3, $4  }
0x36: {  	v0 =	vld [tilespmem:s18+$0x0];
	[tilespmem:s15+$0x0 ss:$0x81] =	vst.msk $0xffff, v1  }
0x37: {  	s15 =	sshra.s32 s19, $0x2;
	v1 =	vld [tilespmem:s18+$0xFFFFFFE0]  }
0x38: {  	s15 =	sadd.s32 s15, s16  }
0x39: {  	s18 =	sadd.s32 $0x40, s18;
	[tilespmem:s15+$0x1830 ss:$0x81] =	vst.msk $0xffff, v3  }
.Ltmp4:
0x3a: {  	_ = 	snop;
	(pc) =	sbr.rel .LBB1_4-.Ltmp4, $1  }
0x3b: {  	_ =	sdelay $0x3  }
.LBB1_6:
0x3c: {  	_ =	sfence.sel $0x180000  }
0x3d: {  	s2 =	simm.s32 $0x1;
	[bflag:$0x0] =	sbarrier.arrive $0xFFFF  }
0x3e: {  	s31 =	simm.s32 $0x2;
	[sflag:s2] =	ssyncpa.u1 $0x1  }
0x3f: {  	[sflag:s31] =	ssyncpa.u1 $0x1  }
0x40: {  	p0 =	sne.s32 s0, $0x0;
	_ =	strace $0x9000004A  }
0x41: {  	s0 =	sadd.s32 @!p0 $0x100000, s1;
	[bflag:$0x2] =	sbarrier.arrive $0xFFFF  }
0x42: {  	[sflag:s0] =	ssyncadd.tile.s32 @!p0 $0x1;
	_ =	shalt  }
.Lfunc_end1:
_tile_overlayer_lowered:
.L_overlay_start_2:
0x43: {  	(tag) =	ssettag $0x2  }
0x44: {  	s0 =	rddreg [dreg:$0x0];
	s2 =	stileid.u32  }
0x45: {  	s1 =	rddreg [dreg:$0x1];
	p0 =	sne.s32 s2, $0x0  }
0x46: {  	s3 =	rddreg [dreg:$0x2];
	[bflag:$0x3] =	sbarrier.arrive $0xFFFF;
	s2 =	simm.s32 @!p0 $0x1C01  }
0x47: {  	[timem:s3], [sflag:s2] =	dma.local @!p0 [hbm:s0], s1  }
0x48: {  	s0 =	simm.s32 @!p0 $0x1  }
0x49: {  	_ =	swait.ge @!p0 [sflag:s0], s1  }
0x4a: {  	s1 =	ssub.s32 @!p0 $0x0, s1;
	[sflag:s0] =	ssyncset.done @!p0 $0x0  }
0x4b: {  	[sflag:s0] =	ssyncadd.s32 @!p0 s1  }
0x4c: {  	[bflag:$0x3] =	sbarrier.arrive $0xFFFF  }
0x4d: {  	_ =	shalt  }

</sc_bundles>
